<compile_context>
chip_gen: v7x
topology: tpu7x:2x2x1
jax: 0.10.2.dev20260603
libtpu: 0.0.44.dev20260713+nightly
codegen_flags: <defaults>
</compile_context>

<pallas_src>
import functools

import jax
import jax.numpy as jnp
from jax import lax
from jax.experimental import pallas as pl
from jax.experimental.pallas import tpu as pltpu
from jax.experimental.pallas import tpu_sc as plsc

VOCAB = 32000
D_MODEL = 2048
SEQ = 2048
EPS = 1e-5

TV = 512
TS = 256
NV = -(-VOCAB // TV)
NC = 2
NS = 16
NW = NC * NS
BPW = SEQ // NW
CH = 32


def _gather_body(x_hbm, table_hbm, out_hbm, idx_v, rows_v, sem):
    wid = lax.axis_index("s") * NC + lax.axis_index("c")
    base = wid * BPW
    pltpu.sync_copy(x_hbm.at[pl.ds(base, BPW)], idx_v)
    for c in range(BPW // CH):
        pltpu.async_copy(
            table_hbm.at[idx_v.at[pl.ds(c * CH, CH)]], rows_v, sem
        ).wait()
        pltpu.sync_copy(rows_v, out_hbm.at[pl.ds(base + c * CH, CH)])


def _ln_body(h_ref, g_ref, b_ref, hn_ref):
    h = h_ref[...]
    mu = jnp.mean(h, axis=1, keepdims=True)
    cen = h - mu
    var = jnp.mean(cen * cen, axis=1, keepdims=True)
    hn = cen * lax.rsqrt(var + EPS) * g_ref[...] + b_ref[...]
    hn_ref[...] = hn.astype(jnp.bfloat16)


def _matmul_body(hn_ref, emb_ref, out_ref):
    out_ref[...] = lax.dot_general(
        hn_ref[...],
        emb_ref[...].astype(jnp.bfloat16),
        (((1,), (1,)), ((), ())),
        preferred_element_type=jnp.float32,
    )


def kernel(x, embedding, ln_gamma, ln_beta):
    xi = x.reshape(SEQ).astype(jnp.int32)

    gather = functools.partial(
        pl.kernel,
        mesh=plsc.VectorSubcoreMesh(core_axis_name="c", subcore_axis_name="s"),
        out_type=jax.ShapeDtypeStruct((SEQ, D_MODEL), jnp.float32),
        scratch_types=[
            pltpu.VMEM((BPW,), jnp.int32),
            pltpu.VMEM((CH, D_MODEL), jnp.float32),
            pltpu.SemaphoreType.DMA,
        ],
    )(_gather_body)
    h = gather(xi, embedding)

    hn = pl.pallas_call(
        _ln_body,
        grid=(SEQ // TS,),
        in_specs=[
            pl.BlockSpec((TS, D_MODEL), lambda s: (s, 0)),
            pl.BlockSpec((1, D_MODEL), lambda s: (0, 0)),
            pl.BlockSpec((1, D_MODEL), lambda s: (0, 0)),
        ],
        out_specs=pl.BlockSpec((TS, D_MODEL), lambda s: (s, 0)),
        out_shape=jax.ShapeDtypeStruct((SEQ, D_MODEL), jnp.bfloat16),
        compiler_params=pltpu.CompilerParams(
            dimension_semantics=("parallel",)
        ),
    )(h, ln_gamma.reshape(1, D_MODEL), ln_beta.reshape(1, D_MODEL))

    logits = pl.pallas_call(
        _matmul_body,
        grid=(NV,),
        in_specs=[
            pl.BlockSpec((SEQ, D_MODEL), lambda v: (0, 0)),
            pl.BlockSpec((TV, D_MODEL), lambda v: (v, 0)),
        ],
        out_specs=pl.BlockSpec((SEQ, TV), lambda v: (0, v)),
        out_shape=jax.ShapeDtypeStruct((SEQ, VOCAB), jnp.float32),
        compiler_params=pltpu.CompilerParams(
            dimension_semantics=("parallel",)
        ),
    )(hn, embedding)

    return (logits.reshape(1, SEQ, VOCAB), 0.0)

# --- scband reference (transcript-rebuilt; emitter-appended) ---
"""Pipeline reference for scband-lmhead-model-71717363908671 (READ-ONLY COPY).

The authoritative reference and input builder live on the scoring server;
editing this copy changes nothing except your own understanding.
"""

import jax, jax.numpy as jnp
import numpy as np

VOCAB = 32000
D_MODEL = 2048
BATCH = 1
SEQ = 2048
EPS = 1e-5


def setup_inputs(seed: int = 0) -> dict:
    key = jax.random.key(seed)
    k1, k2, k3 = jax.random.split(key, 3)
    x = jax.random.randint(k1, (BATCH, SEQ), 0, VOCAB, dtype=jnp.int64 if jax.config.jax_enable_x64 else jnp.int32)
    embedding = jax.random.normal(k2, (VOCAB, D_MODEL), dtype=jnp.float32) * 0.02
    ln_gamma = jnp.ones((D_MODEL,), dtype=jnp.float32)
    ln_beta = jnp.zeros((D_MODEL,), dtype=jnp.float32)
    return {"x": x, "embedding": embedding, "ln_gamma": ln_gamma, "ln_beta": ln_beta}


def reference(x, embedding, ln_gamma, ln_beta):
    # h = self.embedding(x)
    h = jnp.take(embedding, x, axis=0)  # [B, S, D]
    # backbone is nn.Identity() (passed-in backbone module; identity stand-in)
    # aux_loss path: backbone returns plain tensor -> aux_loss = 0.0
    aux_loss = 0.0
    # h = self.norm(h)  (LayerNorm over last dim, eps=1e-5)
    mu = jnp.mean(h, axis=-1, keepdims=True)
    var = jnp.mean((h - mu) ** 2, axis=-1, keepdims=True)
    hn = (h - mu) / jnp.sqrt(var + EPS) * ln_gamma + ln_beta
    # logits = self.lm_head(h) with weight tied to embedding table (no bias)
    logits = jnp.einsum('bsd,vd->bsv', hn, embedding)
    return (logits, aux_loss)

if __name__ == "__main__":
    import jax
    _d = setup_inputs()
    print(jax.jit(kernel)(*tuple(_d.values())))

</pallas_src>

<mosaic_0001>
#map = affine_map<(d0, d1) -> (0)>
#map1 = affine_map<(d0, d1) -> (0, 0)>
module attributes {stable_mosaic.version = 14 : i64} {
  func.func @_gather_body(%arg0: i32, %arg1: i32, %arg2: memref<2048xi32, #tpu.memory_space<hbm>>, %arg3: memref<32000x2048xf32, #tpu.memory_space<hbm>>, %arg4: memref<2048x2048xf32, #tpu.memory_space<hbm>>, %arg5: memref<64xi32, #tpu.memory_space<vmem>>, %arg6: memref<32x2048xf32, #tpu.memory_space<vmem>>, %arg7: memref<!tpu.dma_semaphore, #tpu.memory_space<semaphore_mem>>) attributes {dimension_semantics = [#tpu.dimension_semantics<core_parallel>, #tpu.dimension_semantics<subcore_parallel>], iteration_bounds = array<i64: 2, 16>, scalar_prefetch = 0 : i64, scratch_operands = 3 : i64, tpu.core_type = #tpu.core_type<sc_vector_subcore>, window_params = [{transform_indices = #map}, {transform_indices = #map1}, {transform_indices = #map1}]} {
    %mul3A = arith.constant 2 : i32
    %mul3A_0 = arith.muli %arg1, %mul3A : i32
    %add3A = arith.addi %mul3A_0, %arg0 : i32
    %mul3A_1 = arith.constant 64 : i32
    %mul3A_2 = arith.muli %add3A, %mul3A_1 : i32
    "tpu.region"() ({
      %run_scoped3A = tpu.sem_alloc : memref<!tpu.dma_semaphore, #tpu.memory_space<semaphore_mem>>
      %dma_start3A_25 = tpu.memref_slice %arg2[%mul3A_2] : memref<2048xi32, #tpu.memory_space<hbm>> -> memref<64xi32, #tpu.memory_space<hbm>>
      %dma_start3A_26 = tpu.memref_slice %arg2[%mul3A_2] : memref<2048xi32, #tpu.memory_space<hbm>> -> memref<64xi32, #tpu.memory_space<hbm>>
      tpu.enqueue_dma source(%dma_start3A_26 : memref<64xi32, #tpu.memory_space<hbm>>) target(%arg5 : memref<64xi32, #tpu.memory_space<vmem>>) target_semaphore(%run_scoped3A : memref<!tpu.dma_semaphore, #tpu.memory_space<semaphore_mem>>)
      %dma_wait3A_27 = tpu.memref_slice %arg2[%mul3A_2] : memref<2048xi32, #tpu.memory_space<hbm>> -> memref<64xi32, #tpu.memory_space<hbm>>
      %dma_wait3A_28 = tpu.memref_slice %arg2[%mul3A_2] : memref<2048xi32, #tpu.memory_space<hbm>> -> memref<64xi32, #tpu.memory_space<hbm>>
      tpu.wait_dma2 semaphore(%run_scoped3A : memref<!tpu.dma_semaphore, #tpu.memory_space<semaphore_mem>>) src(%dma_wait3A_28 : memref<64xi32, #tpu.memory_space<hbm>>) dst(%arg5 : memref<64xi32, #tpu.memory_space<vmem>>)
      tpu.yield
    }) : () -> ()
    %dma_start3A = arith.constant 0 : i32
    %dma_start3A_3 = tpu.memref_slice %arg5[%dma_start3A] : memref<64xi32, #tpu.memory_space<vmem>> -> memref<32xi32, #tpu.memory_space<vmem>>
    %dma_start3A_4 = arith.constant 0 : i32
    %dma_start3A_5 = arith.constant 0 : i32
    %dma_start3A_6 = tpu.memref_slice %arg3[%dma_start3A_4, %dma_start3A_5] : memref<32000x2048xf32, #tpu.memory_space<hbm>> -> memref<32000x2048xf32, #tpu.memory_space<hbm>>
    tpu.enqueue_indirect_dma source(%dma_start3A_6 : memref<32000x2048xf32, #tpu.memory_space<hbm>>) target(%arg6 : memref<32x2048xf32, #tpu.memory_space<vmem>>) offsets(%dma_start3A_3 : memref<32xi32, #tpu.memory_space<vmem>>) semaphore(%arg7 : memref<!tpu.dma_semaphore, #tpu.memory_space<semaphore_mem>>)
    %dma_wait3A = arith.constant 0 : i32
    %dma_wait3A_7 = tpu.memref_slice %arg5[%dma_wait3A] : memref<64xi32, #tpu.memory_space<vmem>> -> memref<32xi32, #tpu.memory_space<vmem>>
    %dma_wait3A_8 = arith.constant 0 : i32
    %dma_wait3A_9 = arith.constant 0 : i32
    %dma_wait3A_10 = tpu.memref_slice %arg3[%dma_wait3A_8, %dma_wait3A_9] : memref<32000x2048xf32, #tpu.memory_space<hbm>> -> memref<32000x2048xf32, #tpu.memory_space<hbm>>
    tpu.wait_indirect_dma semaphore(%arg7 : memref<!tpu.dma_semaphore, #tpu.memory_space<semaphore_mem>>) src(%dma_wait3A_10 : memref<32000x2048xf32, #tpu.memory_space<hbm>>) dst(%arg6 : memref<32x2048xf32, #tpu.memory_space<vmem>>)
    %add3A_11 = arith.constant 0 : i32
    %add3A_12 = arith.addi %mul3A_2, %add3A_11 : i32
    "tpu.region"() ({
      %run_scoped3A = tpu.sem_alloc : memref<!tpu.dma_semaphore, #tpu.memory_space<semaphore_mem>>
      %dma_start3A_25 = arith.constant 0 : i32
      %dma_start3A_26 = tpu.memref_slice %arg4[%add3A_12, %dma_start3A_25] : memref<2048x2048xf32, #tpu.memory_space<hbm>> -> memref<32x2048xf32, #tpu.memory_space<hbm>>
      %dma_start3A_27 = arith.constant 0 : i32
      %dma_start3A_28 = tpu.memref_slice %arg4[%add3A_12, %dma_start3A_27] : memref<2048x2048xf32, #tpu.memory_space<hbm>> -> memref<32x2048xf32, #tpu.memory_space<hbm>>
      tpu.enqueue_dma source(%arg6 : memref<32x2048xf32, #tpu.memory_space<vmem>>) target(%dma_start3A_28 : memref<32x2048xf32, #tpu.memory_space<hbm>>) target_semaphore(%run_scoped3A : memref<!tpu.dma_semaphore, #tpu.memory_space<semaphore_mem>>)
      %dma_wait3A_29 = arith.constant 0 : i32
      %dma_wait3A_30 = tpu.memref_slice %arg4[%add3A_12, %dma_wait3A_29] : memref<2048x2048xf32, #tpu.memory_space<hbm>> -> memref<32x2048xf32, #tpu.memory_space<hbm>>
      %dma_wait3A_31 = arith.constant 0 : i32
      %dma_wait3A_32 = tpu.memref_slice %arg4[%add3A_12, %dma_wait3A_31] : memref<2048x2048xf32, #tpu.memory_space<hbm>> -> memref<32x2048xf32, #tpu.memory_space<hbm>>
      tpu.wait_dma2 semaphore(%run_scoped3A : memref<!tpu.dma_semaphore, #tpu.memory_space<semaphore_mem>>) src(%arg6 : memref<32x2048xf32, #tpu.memory_space<vmem>>) dst(%dma_wait3A_32 : memref<32x2048xf32, #tpu.memory_space<hbm>>)
      tpu.yield
    }) : () -> ()
    %dma_start3A_13 = arith.constant 32 : i32
    %dma_start3A_14 = tpu.memref_slice %arg5[%dma_start3A_13] : memref<64xi32, #tpu.memory_space<vmem>> -> memref<32xi32, #tpu.memory_space<vmem>>
    %dma_start3A_15 = arith.constant 0 : i32
    %dma_start3A_16 = arith.constant 0 : i32
    %dma_start3A_17 = tpu.memref_slice %arg3[%dma_start3A_15, %dma_start3A_16] : memref<32000x2048xf32, #tpu.memory_space<hbm>> -> memref<32000x2048xf32, #tpu.memory_space<hbm>>
    tpu.enqueue_indirect_dma source(%dma_start3A_17 : memref<32000x2048xf32, #tpu.memory_space<hbm>>) target(%arg6 : memref<32x2048xf32, #tpu.memory_space<vmem>>) offsets(%dma_start3A_14 : memref<32xi32, #tpu.memory_space<vmem>>) semaphore(%arg7 : memref<!tpu.dma_semaphore, #tpu.memory_space<semaphore_mem>>)
    %dma_wait3A_18 = arith.constant 32 : i32
    %dma_wait3A_19 = tpu.memref_slice %arg5[%dma_wait3A_18] : memref<64xi32, #tpu.memory_space<vmem>> -> memref<32xi32, #tpu.memory_space<vmem>>
    %dma_wait3A_20 = arith.constant 0 : i32
    %dma_wait3A_21 = arith.constant 0 : i32
    %dma_wait3A_22 = tpu.memref_slice %arg3[%dma_wait3A_20, %dma_wait3A_21] : memref<32000x2048xf32, #tpu.memory_space<hbm>> -> memref<32000x2048xf32, #tpu.memory_space<hbm>>
    tpu.wait_indirect_dma semaphore(%arg7 : memref<!tpu.dma_semaphore, #tpu.memory_space<semaphore_mem>>) src(%dma_wait3A_22 : memref<32000x2048xf32, #tpu.memory_space<hbm>>) dst(%arg6 : memref<32x2048xf32, #tpu.memory_space<vmem>>)
    %add3A_23 = arith.constant 32 : i32
    %add3A_24 = arith.addi %mul3A_2, %add3A_23 : i32
    "tpu.region"() ({
      %run_scoped3A = tpu.sem_alloc : memref<!tpu.dma_semaphore, #tpu.memory_space<semaphore_mem>>
      %dma_start3A_25 = arith.constant 0 : i32
      %dma_start3A_26 = tpu.memref_slice %arg4[%add3A_24, %dma_start3A_25] : memref<2048x2048xf32, #tpu.memory_space<hbm>> -> memref<32x2048xf32, #tpu.memory_space<hbm>>
      %dma_start3A_27 = arith.constant 0 : i32
      %dma_start3A_28 = tpu.memref_slice %arg4[%add3A_24, %dma_start3A_27] : memref<2048x2048xf32, #tpu.memory_space<hbm>> -> memref<32x2048xf32, #tpu.memory_space<hbm>>
      tpu.enqueue_dma source(%arg6 : memref<32x2048xf32, #tpu.memory_space<vmem>>) target(%dma_start3A_28 : memref<32x2048xf32, #tpu.memory_space<hbm>>) target_semaphore(%run_scoped3A : memref<!tpu.dma_semaphore, #tpu.memory_space<semaphore_mem>>)
      %dma_wait3A_29 = arith.constant 0 : i32
      %dma_wait3A_30 = tpu.memref_slice %arg4[%add3A_24, %dma_wait3A_29] : memref<2048x2048xf32, #tpu.memory_space<hbm>> -> memref<32x2048xf32, #tpu.memory_space<hbm>>
      %dma_wait3A_31 = arith.constant 0 : i32
      %dma_wait3A_32 = tpu.memref_slice %arg4[%add3A_24, %dma_wait3A_31] : memref<2048x2048xf32, #tpu.memory_space<hbm>> -> memref<32x2048xf32, #tpu.memory_space<hbm>>
      tpu.wait_dma2 semaphore(%run_scoped3A : memref<!tpu.dma_semaphore, #tpu.memory_space<semaphore_mem>>) src(%arg6 : memref<32x2048xf32, #tpu.memory_space<vmem>>) dst(%dma_wait3A_32 : memref<32x2048xf32, #tpu.memory_space<hbm>>)
      tpu.yield
    }) : () -> ()
    return
  }
}

module attributes {stable_mosaic.version = 14 : i64} {
  func.func @_matmul_body(%arg0: i32, %arg1: memref<2048x2048xbf16, #tpu.memory_space<vmem>>, %arg2: memref<512x2048xf32, #tpu.memory_space<vmem>>, %arg3: memref<2048x512xf32, #tpu.memory_space<vmem>>) attributes {dimension_semantics = [#tpu.dimension_semantics<parallel>], iteration_bounds = array<i64: 63>, scalar_prefetch = 0 : i64, scratch_operands = 0 : i64, tpu.core_type = #tpu.core_type<tc>, window_params = [{pipeline_mode = #tpu.pipeline_mode<synchronous>, transform_indices = @transform_0, window_bounds = array<i64: 2048, 2048>}, {transform_indices = @transform_1, window_bounds = array<i64: 512, 2048>}, {transform_indices = @transform_2, window_bounds = array<i64: 2048, 512>}]} {
    %get3A = arith.constant 0 : index
    %get3A_0 = arith.constant 0 : index
    %get3A_1 = vector.load %arg1[%get3A, %get3A_0] : memref<2048x2048xbf16, #tpu.memory_space<vmem>>, vector<2048x2048xbf16>
    %get3A_2 = arith.constant 0 : index
    %get3A_3 = arith.constant 0 : index
    %get3A_4 = vector.load %arg2[%get3A_2, %get3A_3] : memref<512x2048xf32, #tpu.memory_space<vmem>>, vector<512x2048xf32>
    %convert_element_type3A = arith.truncf %get3A_4 : vector<512x2048xf32> to vector<512x2048xbf16>
    %dot_general3A = arith.constant dense<0.000000e+00> : vector<2048x512xf32>
    %dot_general3A_5 = tpu.matmul %get3A_1, %convert_element_type3A, %dot_general3A {dimension_numbers = #tpu.dot_dimension_numbers<[1], [1], [0], [0], [0, 0, 1, 0], [], []>, transpose_lhs_hint = false} : vector<2048x2048xbf16>, vector<512x2048xbf16>, vector<2048x512xf32> -> vector<2048x512xf32>
    %swap3A = arith.constant 0 : index
    %swap3A_6 = arith.constant 0 : index
    %swap3A_7 = vector.load %arg3[%swap3A, %swap3A_6] : memref<2048x512xf32, #tpu.memory_space<vmem>>, vector<2048x512xf32>
    tpu.vector_store %arg3[%swap3A, %swap3A_6], %dot_general3A_5 {strides = array<i32>} : memref<2048x512xf32, #tpu.memory_space<vmem>>, vector<2048x512xf32>,
    return
  }
  func.func @transform_0(%arg0: i32) -> (i32, i32) {
    %c0_i32 = arith.constant 0 : i32
    %c0_i32_0 = arith.constant 0 : i32
    %c0_i32_1 = arith.constant 0 : i32
    return %c0_i32, %c0_i32_0 : i32, i32
  }
  func.func @transform_1(%arg0: i32) -> (i32, i32) {
    %c0_i32 = arith.constant 0 : i32
    %c0_i32_0 = arith.constant 0 : i32
    return %arg0, %c0_i32 : i32, i32
  }
  func.func @transform_2(%arg0: i32) -> (i32, i32) {
    %c0_i32 = arith.constant 0 : i32
    %c0_i32_0 = arith.constant 0 : i32
    return %c0_i32, %arg0 : i32, i32
  }
}

module attributes {stable_mosaic.version = 14 : i64} {
  func.func @_ln_body(%arg0: i32, %arg1: memref<256x2048xf32, #tpu.memory_space<vmem>>, %arg2: memref<1x2048xf32, #tpu.memory_space<vmem>>, %arg3: memref<1x2048xf32, #tpu.memory_space<vmem>>, %arg4: memref<256x2048xbf16, #tpu.memory_space<vmem>>) attributes {dimension_semantics = [#tpu.dimension_semantics<parallel>], iteration_bounds = array<i64: 8>, scalar_prefetch = 0 : i64, scratch_operands = 0 : i64, tpu.core_type = #tpu.core_type<tc>, window_params = [{transform_indices = @transform_0, window_bounds = array<i64: 256, 2048>}, {pipeline_mode = #tpu.pipeline_mode<synchronous>, transform_indices = @transform_1, window_bounds = array<i64: 1, 2048>}, {pipeline_mode = #tpu.pipeline_mode<synchronous>, transform_indices = @transform_2, window_bounds = array<i64: 1, 2048>}, {transform_indices = @transform_3, window_bounds = array<i64: 256, 2048>}]} {
    %get3A = arith.constant 0 : index
    %get3A_0 = arith.constant 0 : index
    %get3A_1 = vector.load %arg1[%get3A, %get3A_0] : memref<256x2048xf32, #tpu.memory_space<vmem>>, vector<256x2048xf32>
    %reduce_sum3A = arith.constant dense<0.000000e+00> : vector<256xf32>
    %reduce_sum3A_2 = vector.multi_reduction <add>, %get3A_1, %reduce_sum3A [1] : vector<256x2048xf32> to vector<256xf32>
    %broadcast_in_dim3A = vector.shape_cast %reduce_sum3A_2 : vector<256xf32> to vector<256x1xf32>
    %div3A = arith.constant 2.048000e+03 : f32
    %div3A_3 = vector.broadcast %div3A : f32 to vector<256x1xf32>
    %div3A_4 = arith.divf %broadcast_in_dim3A, %div3A_3 : vector<256x1xf32>
    %sub3A = vector.broadcast %div3A_4 : vector<256x1xf32> to vector<256x2048xf32>
    %sub3A_5 = arith.subf %get3A_1, %sub3A : vector<256x2048xf32>
    %mul3A = arith.mulf %sub3A_5, %sub3A_5 : vector<256x2048xf32>
    %reduce_sum3A_6 = arith.constant dense<0.000000e+00> : vector<256xf32>
    %reduce_sum3A_7 = vector.multi_reduction <add>, %mul3A, %reduce_sum3A_6 [1] : vector<256x2048xf32> to vector<256xf32>
    %broadcast_in_dim3A_8 = vector.shape_cast %reduce_sum3A_7 : vector<256xf32> to vector<256x1xf32>
    %div3A_9 = arith.constant 2.048000e+03 : f32
    %div3A_10 = vector.broadcast %div3A_9 : f32 to vector<256x1xf32>
    %div3A_11 = arith.divf %broadcast_in_dim3A_8, %div3A_10 : vector<256x1xf32>
    %add3A = arith.constant 9.99999974E-6 : f32
    %add3A_12 = vector.broadcast %add3A : f32 to vector<256x1xf32>
    %add3A_13 = arith.addf %div3A_11, %add3A_12 : vector<256x1xf32>
    %rsqrt3A = math.rsqrt %add3A_13 : vector<256x1xf32>
    %mul3A_14 = vector.broadcast %rsqrt3A : vector<256x1xf32> to vector<256x2048xf32>
    %mul3A_15 = arith.mulf %sub3A_5, %mul3A_14 : vector<256x2048xf32>
    %get3A_16 = arith.constant 0 : index
    %get3A_17 = arith.constant 0 : index
    %get3A_18 = vector.load %arg2[%get3A_16, %get3A_17] : memref<1x2048xf32, #tpu.memory_space<vmem>>, vector<1x2048xf32>
    %mul3A_19 = vector.broadcast %get3A_18 : vector<1x2048xf32> to vector<256x2048xf32>
    %mul3A_20 = arith.mulf %mul3A_15, %mul3A_19 : vector<256x2048xf32>
    %get3A_21 = arith.constant 0 : index
    %get3A_22 = arith.constant 0 : index
    %get3A_23 = vector.load %arg3[%get3A_21, %get3A_22] : memref<1x2048xf32, #tpu.memory_space<vmem>>, vector<1x2048xf32>
    %add3A_24 = vector.broadcast %get3A_23 : vector<1x2048xf32> to vector<256x2048xf32>
    %add3A_25 = arith.addf %mul3A_20, %add3A_24 : vector<256x2048xf32>
    %convert_element_type3A = arith.truncf %add3A_25 : vector<256x2048xf32> to vector<256x2048xbf16>
    %swap3A = arith.constant 0 : index
    %swap3A_26 = arith.constant 0 : index
    %swap3A_27 = vector.load %arg4[%swap3A, %swap3A_26] : memref<256x2048xbf16, #tpu.memory_space<vmem>>, vector<256x2048xbf16>
    tpu.vector_store %arg4[%swap3A, %swap3A_26], %convert_element_type3A {strides = array<i32>} : memref<256x2048xbf16, #tpu.memory_space<vmem>>, vector<256x2048xbf16>,
    return
  }
  func.func @transform_0(%arg0: i32) -> (i32, i32) {
    %c0_i32 = arith.constant 0 : i32
    %c0_i32_0 = arith.constant 0 : i32
    return %arg0, %c0_i32 : i32, i32
  }
  func.func @transform_1(%arg0: i32) -> (i32, i32) {
    %c0_i32 = arith.constant 0 : i32
    %c0_i32_0 = arith.constant 0 : i32
    %c0_i32_1 = arith.constant 0 : i32
    return %c0_i32, %c0_i32_0 : i32, i32
  }
  func.func @transform_2(%arg0: i32) -> (i32, i32) {
    %c0_i32 = arith.constant 0 : i32
    %c0_i32_0 = arith.constant 0 : i32
    %c0_i32_1 = arith.constant 0 : i32
    return %c0_i32, %c0_i32_0 : i32, i32
  }
  func.func @transform_3(%arg0: i32) -> (i32, i32) {
    %c0_i32 = arith.constant 0 : i32
    %c0_i32_0 = arith.constant 0 : i32
    return %arg0, %c0_i32 : i32, i32
  }
}

</mosaic_0001>

<sc_bundles>
// kernel: kernel.5.cloned.1.call-start
scs
__scs_entry_jumppad:
0x0: {  	(pc) =	sbr.rel $0x88, $3  }
0x1: {  	(tag) =	ssettag $0x0;
	lr =	simm.s32 $0x1  }
0x2: {  	[smem:$0x3F9D] =	sst lr;
	_ =	strace $0xD0000000  }
0x3: {  	_ = 	snop  }
0x4: {  	_ = 	snop  }
0x5: {  	_ = 	snop  }
0x6: {  	_ = 	snop  }
0x7: {  	_ = 	snop  }
__scs_overlays_trampoline_lowered:
0x8: {  	[smem:$0x3FAC] =	sst s0  }
0x9: {  	[smem:$0x3FAD] =	sst s1  }
0xa: {  	[smem:$0x3FAE] =	sst s2  }
0xb: {  	[smem:$0x3FAF] =	sst s3  }
0xc: {  	[smem:$0x3FB0] =	sst s4  }
0xd: {  	[smem:$0x3FB1] =	sst s5  }
0xe: {  	[smem:$0x3FB2] =	sst s6  }
0xf: {  	[smem:$0x3FB3] =	sst s7  }
0x10: {  	[smem:$0x3FB4] =	sst s8  }
0x11: {  	[smem:$0x3FB5] =	sst s9;
	s0 =	simm.s32 @!p0 $0x0  }
0x12: {  	s1 =	sld [smem:$0x3F9B];
	s0 =	simm.s32 @p0 $0x1  }
0x13: {  	[smem:$0x3FB6] =	sst s0;
	s0 =	simm.s32 @!p1 $0x0  }
0x14: {  	s2 =	sld [smem:$0x3F9A];
	s0 =	simm.s32 @p1 $0x1  }
0x15: {  	[smem:$0x3FB7] =	sst s0;
	s0 =	simm.s32 @!p2 $0x0  }
0x16: {  	s3 =	sld [smem:$0x3FDB];
	s0 =	simm.s32 @p2 $0x1  }
0x17: {  	s4 =	simm.s32 $0x1BF5;
	[smem:$0x3FB9] =	sst s0  }
0x18: {  	s0 =	sld [smem:$0x3F9C];
	_ =	swait.ge [sflag:s4], $0x0  }
0x19: {  	s7 =	sld [smem:$0x3F9D]  }
0x1a: {  	s8 =	sadd.s32 $0xFFFFE003, lr  }
0x1b: {  	s9 =	sadd.s32 $0xFFFFFEF7, lr;
	s5 =	simm.s32 $0xFFFFFFFF;
	p2 =	slt.u32 s8, $0xFFFFF086  }
0x1c: {  	p1 =	slt.u32 s9, $0xF7A;
	s5 =	simm.s32 @!p2 $0x0  }
0x1d: {  	s5 =	simm.s32 @p1 $0x1;
	p0 =	seq.s32 s7, s2  }
0x1e: {  	s7 =	smul.u32 @!p0 $0xF7A, s2;
	p2 =	seq.s32 @!p0 s5, $0x0  }
0x1f: {  	s9 =	smul.u32 $0xF7A, s1;
	s8 =	simm.s32 @!p0 $0x1BF5;
	p2 =	por !p2, p0  }
0x20: {  	[sflag:s8] =	ssyncset.s32 @!p0 $0xFFFFF086;
	s6 =	sadd.s32 @!p0 s3, s7;
	s7 =	simm.s32 @!p0 $0x108  }
0x21: {  	s3 =	sadd.s32 s3, s9;
	s6 =	sadd.s32 @!p0 $0x88, s6;
	s7 =	simm.s32 @p2 $0x1082  }
0x22: {  	[simem:s7], [sflag:s8] =	dma.local @!p0 [hbm:s6], $0xF7A  }
0x23: {  	s9 =	sor.u32 $0xD0000000, s2;
	s6 =	simm.s32 $0x108;
	_ =	swait.ge @!p0 [sflag:s8], $0x0  }
0x24: {  	s3 =	sadd.s32 $0x88, s3;
	s6 =	simm.s32 @!p1 $0x1082;
	[sflag:s4] =	ssyncset.s32 $0xFFFFF086  }
0x25: {  	[simem:s6], [sflag:s4] =	dma.local [hbm:s3], $0xF7A  }
0x26: {  	[smem:$0x3F9D] =	sst s1;
	(tag) =	ssettag s2;
	_ =	strace s9  }
0x27: {  	s1 =	sld [smem:$0x3FAD]  }
0x28: {  	s2 =	sld [smem:$0x3FAE]  }
0x29: {  	s4 =	sld [smem:$0x3FB0]  }
0x2a: {  	p0 =	seq.s32 s5, $0x0;
	s5 =	sld [smem:$0x3FB1]  }
0x2b: {  	s6 =	sld [smem:$0x3FB2]  }
0x2c: {  	s7 =	sld [smem:$0x3FB3]  }
0x2d: {  	s3 =	simm.s32 $0x108;
	s8 =	sld [smem:$0x3FB4]  }
0x2e: {  	s3 =	simm.s32 @!p0 $0x1082;
	s9 =	sld [smem:$0x3FB5]  }
0x2f: {  	lr =	sadd.s32 s0, s3;
	s0 =	sld [smem:$0x3FAC]  }
0x30: {  	s3 =	sld [smem:$0x3FAF]  }
0x31: {  	[smem:$0x3FB8] =	sst s10  }
0x32: {  	s10 =	sld [smem:$0x3FB6];
	_ =	sdelay $0x3  }
0x33: {  	p0 =	seq.s32 s10, $0x1;
	s10 =	sld [smem:$0x3FB8];
	_ =	sdelay $0x3  }
0x34: {  	[smem:$0x3FB8] =	sst s10  }
0x35: {  	s10 =	sld [smem:$0x3FB7];
	_ =	sdelay $0x3  }
0x36: {  	p1 =	seq.s32 s10, $0x1;
	s10 =	sld [smem:$0x3FB8];
	_ =	sdelay $0x3  }
0x37: {  	[smem:$0x3FB8] =	sst s10  }
0x38: {  	s10 =	sld [smem:$0x3FB9]  }
0x39: {  	_ = 	snop;
	(pc) =	sbr.ind lr, $3  }
0x3a: {  	_ = 	snop  }
0x3b: {  	_ = 	snop  }
0x3c: {  	p2 =	seq.s32 s10, $0x1;
	s10 =	sld [smem:$0x3FB8]  }
0x3d: {  	_ =	shalt  }
0x3e: {  	_ =	shalt  }
0x3f: {  	_ =	shalt  }
0x40: {  	_ =	shalt  }
0x41: {  	_ =	shalt  }
0x42: {  	_ =	shalt  }
0x43: {  	_ =	shalt  }
0x44: {  	_ =	shalt  }
0x45: {  	_ =	shalt  }
0x46: {  	_ =	shalt  }
0x47: {  	_ =	shalt  }
0x48: {  	_ =	shalt  }
0x49: {  	_ =	shalt  }
0x4a: {  	_ =	shalt  }
0x4b: {  	_ =	shalt  }
0x4c: {  	_ =	shalt  }
0x4d: {  	_ =	shalt  }
0x4e: {  	_ =	shalt  }
0x4f: {  	_ =	shalt  }
0x50: {  	_ =	shalt  }
0x51: {  	_ =	shalt  }
0x52: {  	_ =	shalt  }
0x53: {  	_ =	shalt  }
0x54: {  	_ =	shalt  }
0x55: {  	_ =	shalt  }
0x56: {  	_ =	shalt  }
0x57: {  	_ =	shalt  }
0x58: {  	_ =	shalt  }
0x59: {  	_ =	shalt  }
0x5a: {  	_ =	shalt  }
0x5b: {  	_ =	shalt  }
0x5c: {  	_ =	shalt  }
0x5d: {  	_ =	shalt  }
0x5e: {  	_ =	shalt  }
0x5f: {  	_ =	shalt  }
0x60: {  	_ =	shalt  }
0x61: {  	_ =	shalt  }
0x62: {  	_ =	shalt  }
0x63: {  	_ =	shalt  }
0x64: {  	_ =	shalt  }
0x65: {  	_ =	shalt  }
0x66: {  	_ =	shalt  }
0x67: {  	_ =	shalt  }
0x68: {  	_ =	shalt  }
0x69: {  	_ =	shalt  }
0x6a: {  	_ =	shalt  }
0x6b: {  	_ =	shalt  }
0x6c: {  	_ =	shalt  }
0x6d: {  	_ =	shalt  }
0x6e: {  	_ =	shalt  }
0x6f: {  	_ =	shalt  }
0x70: {  	_ =	shalt  }
0x71: {  	_ =	shalt  }
0x72: {  	_ =	shalt  }
0x73: {  	_ =	shalt  }
0x74: {  	_ =	shalt  }
0x75: {  	_ =	shalt  }
0x76: {  	_ =	shalt  }
0x77: {  	_ =	shalt  }
0x78: {  	_ =	shalt  }
0x79: {  	_ =	shalt  }
0x7a: {  	_ =	shalt  }
0x7b: {  	_ =	shalt  }
0x7c: {  	_ =	shalt  }
0x7d: {  	_ =	shalt  }
0x7e: {  	_ =	shalt  }
0x7f: {  	_ =	shalt  }
0x80: {  	_ =	shalt  }
0x81: {  	_ =	shalt  }
0x82: {  	_ =	shalt  }
0x83: {  	_ =	shalt  }
0x84: {  	_ =	shalt  }
0x85: {  	_ =	shalt  }
0x86: {  	_ =	shalt  }
0x87: {  	_ =	shalt  }
.Lfunc_end0:
.L_simem_size_0:
called_computation_lowered:
.L_overlay_start_0:
0x88: {  	s2 =	sld [smem:$0x3FD9]  }
0x89: {  	s3 =	sld [smem:$0x3FFE];
	_ =	sdelay $0x1  }
0x8a: {  	s1 =	srdreg.scid  }
0x8b: {  	s0 =	sand.u32 $0x1, s1  }
0x8c: {  	s15 =	sshll.u32 s0, $0xA;
	s2 =	sadd.s32 s3, s2  }
0x8d: {  	s2 =	sadd.s32 s2, s15  }
0x8e: {  	[smem:$0x3FC4] =	sst s2  }
0x8f: {  	_ = 	snop  }
0x90: {  	s2 =	sld [smem:$0x3FD0];
	_ =	sdelay $0x1  }
0x91: {  	s16 =	sld [smem:$0x3FC9]  }
0x92: {  	s5 =	simm.s32 $0xA;
	s6 =	simm.s32 $0x10;
	s4 =	sld [smem:$0x3FC8]  }
0x93: {  	[smem:s6], [sflag:s5] =	dma.local [hbm:s2], $0x1  }
0x94: {  	_ =	swait.eq [sflag:s5], $0x1  }
0x95: {  	[sflag:s5] =	ssyncset.done $0x0  }
0x96: {  	[sflag:s5] =	ssyncadd.s32 $0xFFFFFFFF  }
0x97: {  	s17 =	sld [smem:$0x10];
	(tm) =	ssettm $0x1  }
0x98: {  	s18 =	sld [smem:$0x3FFB];
	_ =	sdelay $0x3  }
0x99: {  	_ =	strace s18  }
0x9a: {  	s5 =	sld [smem:$0x3FFC];
	_ =	sdelay $0x3  }
0x9b: {  	_ =	strace s5  }
0x9c: {  	s5 =	sld [smem:$0x3FFD];
	_ =	sdelay $0x3  }
0x9d: {  	_ =	strace s5  }
0x9e: {  	_ =	strace $0x8FFFFFFF  }
0x9f: {  	s19 =	sld [smem:$0x3FDB];
	_ =	sdelay $0x1  }
0xa0: {  	s20 =	simm.s32 $_scs_section_size  }
0xa1: {  	s7 =	simm.s32 $_size__tile_overlayer_lowered;
	s8 =	simm.s32 $_tile_overlayer_lowered  }
0xa2: {  	s23 =	simm.s32 $0x1BFF;
	s22 =	sshll.u32 s8, $0x1;
	s5 =	sadd.s32 s20, s19  }
0xa3: {  	s9 =	simm.s32 $0x0;
	s21 =	sshll.u32 s7, $0x1;
	s7 =	sadd.s32 s22, s5  }
0xa4: {  	[timem:s9], [sflag:s23] =	dma.local [hbm:s7], s21  }
0xa5: {  	_ =	swait.ge [sflag:s23], s21  }
0xa6: {  	s6 =	ssub.s32 $0x0, s21;
	[sflag:s23] =	ssyncset.done $0x0  }
0xa7: {  	[sflag:s23] =	ssyncadd.s32 s6;
	_ =	sdelay $0x1  }
0xa8: {  	s24 =	simm.s32 $0x1B8B  }
0xa9: {  	_ =	swait.ge [sflag:s24], $0x1  }
0xaa: {  	[sflag:s24] =	ssyncset.done $0x0  }
0xab: {  	s25 =	simm.s32 $0x1B8E;
	[sflag:s24] =	ssyncadd.s32 $0xFFFFFFFF  }
0xac: {  	s26 =	simm.s32 $execute0_lowered;
	[smem:$0x3FD2] =	sst s25  }
0xad: {  	s6 =	sshll.u32 s26, $0x1;
	_ =	strace $0x80000046;
	[dreg:$0x1] =	wrdreg $0xFFFFFFFF  }
0xae: {  	s28 =	simm.s32 $_size_execute0_lowered;
	s5 =	sadd.s32 s5, s6;
	[dreg:$0x0] =	wrdreg $0x0  }
0xaf: {  	s6 =	sshll.u32 s28, $0x1;
	[dreg:$0x2] =	wrdreg s5  }
0xb0: {  	[dreg:$0x3] =	wrdreg s6  }
0xb1: {  	[dreg:$0x4] =	wrdreg $0xC0  }
0xb2: {  	_ =	task [dreg:s9], $0x5FFFF  }
0xb3: {  	[dreg:$0x1] =	wrdreg $0xFFFFFFFF  }
0xb4: {  	[dreg:$0x0] =	wrdreg $0x60  }
0xb5: {  	[dreg:$0x2] =	wrdreg s16  }
0xb6: {  	[dreg:$0x3] =	wrdreg s4  }
0xb7: {  	[dreg:$0x4] =	wrdreg s17  }
0xb8: {  	[dreg:$0x5] =	wrdreg $0x9  }
0xb9: {  	_ =	task.clear_ibuf [dreg:s9], $0x6FFFF;
	_ =	strace $0x90000046  }
0xba: {  	s29 =	simm.s32 $0x9;
	_ =	strace $0x80000048  }
0xbb: {  	_ =	swait.ge [sflag:s29], $0x1  }
0xbc: {  	[sflag:s29] =	ssyncadd.s32 $0xFFFFFFFF  }
0xbd: {  	_ =	strace $0x90000048  }
0xbe: {  	_ =	sfence  }
0xbf: {  	s30 =	sld [smem:$0x0];
	_ =	sdelay $0x2  }
0xc0: {  	s31 =	sshll.u32 s1, $0xD;
	s1 =	sshrl.u32 s1, $0x2  }
0xc1: {  	s3 =	sand.u32 $0x4000, s31;
	s1 =	sadd.s32 s1, s30  }
0xc2: {  	s0 =	sor.u32 s3, s0;
	s1 =	sshll.u32 s1, $0x11  }
0xc3: {  	s0 =	sor.u32 s1, s0  }
0xc4: {  	s0 =	sadd.s32 $0x8F2B, s0  }
0xc5: {  	[sflag:s0] =	ssyncadd.remote.s32 $0x1  }
0xc6: {  	_ =	sfence.sel $0xFFFF  }
0xc7: {  	[dreg:$0x0] =	wrdreg $0xFFFFFFFF;
	(pc) =	sbr.abs _section_cstart, $3  }
0xc8: {  	[dreg:$0x1] =	wrdreg $0xFFFFFFFF  }
0xc9: {  	_ =	task.clear_ibuf [dreg:s9], $0x2FFFF;
	_ =	strace $0x9FFFFFFF  }
0xca: {  	(tm) =	ssettm $0x7FFFFFFF  }
0xcb: {  	_ =	shalt  }
tec
execute0_lowered:
.L_overlay_start_1:
0x0: {  	(tag) =	ssettag $0x1  }
0x1: {  	s0 =	rddreg [dreg:$0x0];
	s1 =	srdreg.scid  }
0x2: {  	s2 =	rddreg [dreg:$0x1];
	s3 =	stileid.u32  }
0x3: {  	s9 =	rddreg [dreg:$0x2];
	s13 =	simm.s32 $0x2;
	s28 =	simm.s32 $0x1  }
0x4: {  	s30 =	simm.s32 $0x880;
	s31 =	simm.s32 $0x1080;
	s15 =	simm.s32 $0x2880  }
0x5: {  	s16 =	simm.s32 $0x3880;
	s17 =	simm.s32 $0x4080;
	s18 =	simm.s32 $0x4880  }
0x6: {  	s19 =	simm.s32 $0x5080;
	s20 =	simm.s32 $0x5880;
	s21 =	simm.s32 $0x6080  }
0x7: {  	s22 =	simm.s32 $0x6880;
	s23 =	simm.s32 $0x7080;
	s24 =	simm.s32 $0x7880  }
0x8: {  	s25 =	simm.s32 $0x8080;
	s14 =	simm.s32 $0x9080;
	s1 =	sand.u32 $0x1, s1  }
0x9: {  	s4 =	sshll.u32 s3, $0x7;
	s3 =	simm.s32 $0x0;
	s6 =	sadd.s32 $0x300, s2  }
0xa: {  	s8 =	sadd.s32 $0x500, s2;
	s10 =	sadd.s32 $0x600, s2;
	s11 =	sadd.s32 $0x700, s2  }
0xb: {  	s5 =	sshll.u32 s1, $0x6;
	[smem:$0x7FF] =	sst s3;
	s1 =	ssub.s32 $0x2, s1  }
0xc: {  	s7 =	sor.u32 s5, s4;
	_ =	strace $0x80000047;
	s26 =	sshrl.u32 s1, $0x1  }
0xd: {  	s5 =	sadd.s32 $0x200, s2;
	s4 =	sshrl.u32 s7, $0x3;
	s1 =	ssub.s32 s1, s26  }
0xe: {  	s29 =	sshll.u32 s7, $0x8;
	s7 =	sadd.s32 $0x400, s2;
	s0 =	sadd.s32 s0, s4  }
0xf: {  	v2 =	vlaneseq.u32;
	s26 =	simm.s32 $0x8880;
	[dreg:$0x4] =	wrdreg s0;
	s0 =	sadd.s32 s9, s29  }
0x10: {  	vm0 =	vmmov $0xffff;
	v1 =	vshrl.u32 v2, $0x3;
	s4 =	sadd.s32 $0x100, s2;
	[dreg:$0x6] =	wrdreg s0;
	s0 =	sadd.s32 $0x2000, s0  }
0x11: {  	v0 =	vand.u32 $0x7, v2;
	v2 =	vor.u32 $0x8, v2;
	v1 =	vmul.u32 $0x8, v1;
	s12 =	smax.u32 s1, $0x1;
	[dreg:$0x5] =	wrdreg s0;
	s0 =	simm.s32 $0x80  }
.LBB2_1:
0x12: {  	s29 =	rddreg [dreg:$0x4]  }
0x13: {  	[tilespmem:s3], [sflag:$0x2] =	stream.linear.gather [hbm4b:s29+s3], $0x40, $0x38;
	[tilespmem:$0x10080] =	vst v63  }
0x14: {  	_ =	swait.ge [sflag:s13], $0x40  }
0x15: {  	[sflag:s13] =	ssyncset.done $0x0  }
0x16: {  	[sflag:s13] =	ssyncadd.s32 $0xFFFFFFC0  }
0x17: {  	v3 =	vld [tilespmem:$0x0];
	_ =	sdelay $0x4  }
0x18: {  	v4 =	vshll.u32 v3, $0x4  }
0x19: {  	v3 =	vand.u32 $0x7, v3;
	v4 =	vand.u32 $0xFFFFFF80, v4  }
0x1a: {  	v3 =	vor.u32 v3, v4  }
0x1b: {  	v4 =	vperm.xlane v3, v0;
	_ =	sdelay $0x1  }
0x1c: {  	v4 =	vadd.s32 v1, v4;
	_ =	sdelay $0x4  }
0x1d: {  	[tilespmem:s0], [sflag:$0x1] =	stream.indirect_vreg.gather [hbm4b:s2+s3], $0x80, v4, vm0, $0xb8;
	[tilespmem:$0x10080] =	vst v63  }
0x1e: {  	_ = 	snop  }
0x1f: {  	[tilespmem:s30], [sflag:$0x1] =	stream.indirect_vreg.gather [hbm4b:s4+s3], $0x80, v4, vm0, $0xb8;
	[tilespmem:$0x10080] =	vst v63  }
0x20: {  	_ = 	snop  }
0x21: {  	[tilespmem:s31], [sflag:$0x1] =	stream.indirect_vreg.gather [hbm4b:s5+s3], $0x80, v4, vm0, $0xb8;
	[tilespmem:$0x10080] =	vst v63  }
0x22: {  	s1 =	simm.s32 $0x1880  }
0x23: {  	[tilespmem:s1], [sflag:$0x1] =	stream.indirect_vreg.gather [hbm4b:s6+s3], $0x80, v4, vm0, $0xb8;
	[tilespmem:$0x10080] =	vst v63  }
0x24: {  	s9 =	simm.s32 $0x2080  }
0x25: {  	[tilespmem:s9], [sflag:$0x1] =	stream.indirect_vreg.gather [hbm4b:s7+s3], $0x80, v4, vm0, $0xb8;
	[tilespmem:$0x10080] =	vst v63  }
0x26: {  	v3 =	vperm.xlane v3, v2  }
0x27: {  	[tilespmem:s15], [sflag:$0x1] =	stream.indirect_vreg.gather [hbm4b:s8+s3], $0x80, v4, vm0, $0xb8;
	[tilespmem:$0x10080] =	vst v63  }
0x28: {  	v3 =	vadd.s32 v1, v3;
	s9 =	simm.s32 $0x3080  }
0x29: {  	[tilespmem:s9], [sflag:$0x1] =	stream.indirect_vreg.gather [hbm4b:s10+s3], $0x80, v4, vm0, $0xb8;
	[tilespmem:$0x10080] =	vst v63  }
0x2a: {  	_ = 	snop  }
0x2b: {  	[tilespmem:s16], [sflag:$0x1] =	stream.indirect_vreg.gather [hbm4b:s11+s3], $0x80, v4, vm0, $0xb8;
	[tilespmem:$0x10080] =	vst v63  }
0x2c: {  	_ = 	snop  }
0x2d: {  	[tilespmem:s17], [sflag:$0x1] =	stream.indirect_vreg.gather [hbm4b:s2+s3], $0x80, v3, vm0, $0xb8;
	[tilespmem:$0x10080] =	vst v63  }
0x2e: {  	_ = 	snop  }
0x2f: {  	[tilespmem:s18], [sflag:$0x1] =	stream.indirect_vreg.gather [hbm4b:s4+s3], $0x80, v3, vm0, $0xb8;
	[tilespmem:$0x10080] =	vst v63  }
0x30: {  	_ = 	snop  }
0x31: {  	[tilespmem:s19], [sflag:$0x1] =	stream.indirect_vreg.gather [hbm4b:s5+s3], $0x80, v3, vm0, $0xb8;
	[tilespmem:$0x10080] =	vst v63  }
0x32: {  	_ = 	snop  }
0x33: {  	[tilespmem:s20], [sflag:$0x1] =	stream.indirect_vreg.gather [hbm4b:s6+s3], $0x80, v3, vm0, $0xb8;
	[tilespmem:$0x10080] =	vst v63  }
0x34: {  	_ = 	snop  }
0x35: {  	[tilespmem:s21], [sflag:$0x1] =	stream.indirect_vreg.gather [hbm4b:s7+s3], $0x80, v3, vm0, $0xb8;
	[tilespmem:$0x10080] =	vst v63  }
0x36: {  	_ = 	snop  }
0x37: {  	[tilespmem:s22], [sflag:$0x1] =	stream.indirect_vreg.gather [hbm4b:s8+s3], $0x80, v3, vm0, $0xb8;
	[tilespmem:$0x10080] =	vst v63  }
0x38: {  	_ = 	snop  }
0x39: {  	[tilespmem:s23], [sflag:$0x1] =	stream.indirect_vreg.gather [hbm4b:s10+s3], $0x80, v3, vm0, $0xb8;
	[tilespmem:$0x10080] =	vst v63  }
0x3a: {  	_ = 	snop  }
0x3b: {  	[tilespmem:s24], [sflag:$0x1] =	stream.indirect_vreg.gather [hbm4b:s11+s3], $0x80, v3, vm0, $0xb8;
	[tilespmem:$0x10080] =	vst v63  }
0x3c: {  	v3 =	vld [tilespmem:$0x10];
	_ =	sdelay $0x4  }
0x3d: {  	v61 =	vshll.u32 v3, $0x4  }
0x3e: {  	v3 =	vand.u32 $0x7, v3;
	v4 =	vand.u32 $0xFFFFFF80, v61  }
0x3f: {  	v3 =	vor.u32 v3, v4  }
0x40: {  	v4 =	vperm.xlane v3, v0;
	_ =	sdelay $0x1  }
0x41: {  	v4 =	vadd.s32 v1, v4;
	_ =	sdelay $0x4  }
0x42: {  	[tilespmem:s25], [sflag:$0x1] =	stream.indirect_vreg.gather [hbm4b:s2+s3], $0x80, v4, vm0, $0xb8;
	[tilespmem:$0x10080] =	vst v63  }
0x43: {  	_ = 	snop  }
0x44: {  	[tilespmem:s26], [sflag:$0x1] =	stream.indirect_vreg.gather [hbm4b:s4+s3], $0x80, v4, vm0, $0xb8;
	[tilespmem:$0x10080] =	vst v63  }
0x45: {  	_ = 	snop  }
0x46: {  	[tilespmem:s14], [sflag:$0x1] =	stream.indirect_vreg.gather [hbm4b:s5+s3], $0x80, v4, vm0, $0xb8;
	[tilespmem:$0x10080] =	vst v63  }
0x47: {  	s29 =	simm.s32 $0x9880  }
0x48: {  	[tilespmem:s29], [sflag:$0x1] =	stream.indirect_vreg.gather [hbm4b:s6+s3], $0x80, v4, vm0, $0xb8;
	[tilespmem:$0x10080] =	vst v63  }
0x49: {  	s29 =	simm.s32 $0xA080  }
0x4a: {  	[tilespmem:s29], [sflag:$0x1] =	stream.indirect_vreg.gather [hbm4b:s7+s3], $0x80, v4, vm0, $0xb8;
	[tilespmem:$0x10080] =	vst v63  }
0x4b: {  	v3 =	vperm.xlane v3, v2;
	s29 =	simm.s32 $0xA880  }
0x4c: {  	[tilespmem:s29], [sflag:$0x1] =	stream.indirect_vreg.gather [hbm4b:s8+s3], $0x80, v4, vm0, $0xb8;
	[tilespmem:$0x10080] =	vst v63  }
0x4d: {  	v3 =	vadd.s32 v1, v3;
	s29 =	simm.s32 $0xB080  }
0x4e: {  	[tilespmem:s29], [sflag:$0x1] =	stream.indirect_vreg.gather [hbm4b:s10+s3], $0x80, v4, vm0, $0xb8;
	[tilespmem:$0x10080] =	vst v63  }
0x4f: {  	s29 =	simm.s32 $0xB880  }
0x50: {  	[tilespmem:s29], [sflag:$0x1] =	stream.indirect_vreg.gather [hbm4b:s11+s3], $0x80, v4, vm0, $0xb8;
	[tilespmem:$0x10080] =	vst v63  }
0x51: {  	s29 =	simm.s32 $0xC080  }
0x52: {  	[tilespmem:s29], [sflag:$0x1] =	stream.indirect_vreg.gather [hbm4b:s2+s3], $0x80, v3, vm0, $0xb8;
	[tilespmem:$0x10080] =	vst v63  }
0x53: {  	s29 =	simm.s32 $0xC880  }
0x54: {  	[tilespmem:s29], [sflag:$0x1] =	stream.indirect_vreg.gather [hbm4b:s4+s3], $0x80, v3, vm0, $0xb8;
	[tilespmem:$0x10080] =	vst v63  }
0x55: {  	s29 =	simm.s32 $0xD080  }
0x56: {  	[tilespmem:s29], [sflag:$0x1] =	stream.indirect_vreg.gather [hbm4b:s5+s3], $0x80, v3, vm0, $0xb8;
	[tilespmem:$0x10080] =	vst v63  }
0x57: {  	s29 =	simm.s32 $0xD880  }
0x58: {  	[tilespmem:s29], [sflag:$0x1] =	stream.indirect_vreg.gather [hbm4b:s6+s3], $0x80, v3, vm0, $0xb8;
	[tilespmem:$0x10080] =	vst v63  }
0x59: {  	s29 =	simm.s32 $0xE080  }
0x5a: {  	[tilespmem:s29], [sflag:$0x1] =	stream.indirect_vreg.gather [hbm4b:s7+s3], $0x80, v3, vm0, $0xb8;
	[tilespmem:$0x10080] =	vst v63  }
0x5b: {  	s29 =	simm.s32 $0xE880  }
0x5c: {  	[tilespmem:s29], [sflag:$0x1] =	stream.indirect_vreg.gather [hbm4b:s8+s3], $0x80, v3, vm0, $0xb8;
	[tilespmem:$0x10080] =	vst v63  }
0x5d: {  	s29 =	simm.s32 $0xF080  }
0x5e: {  	[tilespmem:s29], [sflag:$0x1] =	stream.indirect_vreg.gather [hbm4b:s10+s3], $0x80, v3, vm0, $0xb8;
	[tilespmem:$0x10080] =	vst v63  }
0x5f: {  	s29 =	simm.s32 $0xF880  }
0x60: {  	[tilespmem:s29], [sflag:$0x1] =	stream.indirect_vreg.gather [hbm4b:s11+s3], $0x80, v3, vm0, $0xb8;
	[tilespmem:$0x10080] =	vst v63  }
0x61: {  	_ =	swait.ge [sflag:s28], $0x10000  }
0x62: {  	[sflag:s28] =	ssyncset.done $0x0  }
0x63: {  	s29 =	rddreg [dreg:$0x6];
	[sflag:s28] =	ssyncadd.s32 $0xFFFF0000  }
0x64: {  	[hbm4b:s29+s3] =	stream.linear.scatter [tilespmem:s0], [sflag:$0x2], $0x10000, $0x38;
	[tilespmem:$0x10080] =	vst v63  }
0x65: {  	_ =	swait.ge [sflag:s13], $0x10000  }
0x66: {  	[sflag:s13] =	ssyncset.done $0x0  }
0x67: {  	[sflag:s13] =	ssyncadd.s32 $0xFFFF0000  }
0x68: {  	v3 =	vld [tilespmem:$0x20];
	_ =	sdelay $0x4  }
0x69: {  	v62 =	vshll.u32 v3, $0x4  }
0x6a: {  	v3 =	vand.u32 $0x7, v3;
	v4 =	vand.u32 $0xFFFFFF80, v62  }
0x6b: {  	v3 =	vor.u32 v3, v4  }
0x6c: {  	v4 =	vperm.xlane v3, v0;
	_ =	sdelay $0x1  }
0x6d: {  	v4 =	vadd.s32 v1, v4;
	_ =	sdelay $0x4  }
0x6e: {  	[tilespmem:s0], [sflag:$0x1] =	stream.indirect_vreg.gather [hbm4b:s2+s3], $0x80, v4, vm0, $0xb8;
	[tilespmem:$0x10080] =	vst v63  }
0x6f: {  	_ = 	snop  }
0x70: {  	[tilespmem:s30], [sflag:$0x1] =	stream.indirect_vreg.gather [hbm4b:s4+s3], $0x80, v4, vm0, $0xb8;
	[tilespmem:$0x10080] =	vst v63  }
0x71: {  	_ = 	snop  }
0x72: {  	[tilespmem:s31], [sflag:$0x1] =	stream.indirect_vreg.gather [hbm4b:s5+s3], $0x80, v4, vm0, $0xb8;
	[tilespmem:$0x10080] =	vst v63  }
0x73: {  	_ = 	snop  }
0x74: {  	[tilespmem:s1], [sflag:$0x1] =	stream.indirect_vreg.gather [hbm4b:s6+s3], $0x80, v4, vm0, $0xb8;
	[tilespmem:$0x10080] =	vst v63  }
0x75: {  	s29 =	simm.s32 $0x2080  }
0x76: {  	[tilespmem:s29], [sflag:$0x1] =	stream.indirect_vreg.gather [hbm4b:s7+s3], $0x80, v4, vm0, $0xb8;
	[tilespmem:$0x10080] =	vst v63  }
0x77: {  	v3 =	vperm.xlane v3, v2  }
0x78: {  	[tilespmem:s15], [sflag:$0x1] =	stream.indirect_vreg.gather [hbm4b:s8+s3], $0x80, v4, vm0, $0xb8;
	[tilespmem:$0x10080] =	vst v63  }
0x79: {  	v3 =	vadd.s32 v1, v3  }
0x7a: {  	[tilespmem:s9], [sflag:$0x1] =	stream.indirect_vreg.gather [hbm4b:s10+s3], $0x80, v4, vm0, $0xb8;
	[tilespmem:$0x10080] =	vst v63  }
0x7b: {  	_ = 	snop  }
0x7c: {  	[tilespmem:s16], [sflag:$0x1] =	stream.indirect_vreg.gather [hbm4b:s11+s3], $0x80, v4, vm0, $0xb8;
	[tilespmem:$0x10080] =	vst v63  }
0x7d: {  	_ = 	snop  }
0x7e: {  	[tilespmem:s17], [sflag:$0x1] =	stream.indirect_vreg.gather [hbm4b:s2+s3], $0x80, v3, vm0, $0xb8;
	[tilespmem:$0x10080] =	vst v63  }
0x7f: {  	_ = 	snop  }
0x80: {  	[tilespmem:s18], [sflag:$0x1] =	stream.indirect_vreg.gather [hbm4b:s4+s3], $0x80, v3, vm0, $0xb8;
	[tilespmem:$0x10080] =	vst v63  }
0x81: {  	_ = 	snop  }
0x82: {  	[tilespmem:s19], [sflag:$0x1] =	stream.indirect_vreg.gather [hbm4b:s5+s3], $0x80, v3, vm0, $0xb8;
	[tilespmem:$0x10080] =	vst v63  }
0x83: {  	_ = 	snop  }
0x84: {  	[tilespmem:s20], [sflag:$0x1] =	stream.indirect_vreg.gather [hbm4b:s6+s3], $0x80, v3, vm0, $0xb8;
	[tilespmem:$0x10080] =	vst v63  }
0x85: {  	_ = 	snop  }
0x86: {  	[tilespmem:s21], [sflag:$0x1] =	stream.indirect_vreg.gather [hbm4b:s7+s3], $0x80, v3, vm0, $0xb8;
	[tilespmem:$0x10080] =	vst v63  }
0x87: {  	_ = 	snop  }
0x88: {  	[tilespmem:s22], [sflag:$0x1] =	stream.indirect_vreg.gather [hbm4b:s8+s3], $0x80, v3, vm0, $0xb8;
	[tilespmem:$0x10080] =	vst v63  }
0x89: {  	_ = 	snop  }
0x8a: {  	[tilespmem:s23], [sflag:$0x1] =	stream.indirect_vreg.gather [hbm4b:s10+s3], $0x80, v3, vm0, $0xb8;
	[tilespmem:$0x10080] =	vst v63  }
0x8b: {  	_ = 	snop  }
0x8c: {  	[tilespmem:s24], [sflag:$0x1] =	stream.indirect_vreg.gather [hbm4b:s11+s3], $0x80, v3, vm0, $0xb8;
	[tilespmem:$0x10080] =	vst v63  }
0x8d: {  	v3 =	vld [tilespmem:$0x30];
	_ =	sdelay $0x4  }
0x8e: {  	v63 =	vshll.u32 v3, $0x4  }
0x8f: {  	v3 =	vand.u32 $0x7, v3;
	v4 =	vand.u32 $0xFFFFFF80, v63  }
0x90: {  	v3 =	vor.u32 v3, v4  }
0x91: {  	v4 =	vperm.xlane v3, v0;
	_ =	sdelay $0x1  }
0x92: {  	v4 =	vadd.s32 v1, v4;
	_ =	sdelay $0x4  }
0x93: {  	[tilespmem:s25], [sflag:$0x1] =	stream.indirect_vreg.gather [hbm4b:s2+s3], $0x80, v4, vm0, $0xb8;
	[tilespmem:$0x10080] =	vst v63  }
0x94: {  	_ = 	snop  }
0x95: {  	[tilespmem:s26], [sflag:$0x1] =	stream.indirect_vreg.gather [hbm4b:s4+s3], $0x80, v4, vm0, $0xb8;
	[tilespmem:$0x10080] =	vst v63  }
0x96: {  	_ = 	snop  }
0x97: {  	[tilespmem:s14], [sflag:$0x1] =	stream.indirect_vreg.gather [hbm4b:s5+s3], $0x80, v4, vm0, $0xb8;
	[tilespmem:$0x10080] =	vst v63  }
0x98: {  	s29 =	simm.s32 $0x9880  }
0x99: {  	[tilespmem:s29], [sflag:$0x1] =	stream.indirect_vreg.gather [hbm4b:s6+s3], $0x80, v4, vm0, $0xb8;
	[tilespmem:$0x10080] =	vst v63  }
0x9a: {  	s9 =	simm.s32 $0xA080  }
0x9b: {  	[tilespmem:s9], [sflag:$0x1] =	stream.indirect_vreg.gather [hbm4b:s7+s3], $0x80, v4, vm0, $0xb8;
	[tilespmem:$0x10080] =	vst v63  }
0x9c: {  	v3 =	vperm.xlane v3, v2;
	s29 =	simm.s32 $0xA880  }
0x9d: {  	[tilespmem:s29], [sflag:$0x1] =	stream.indirect_vreg.gather [hbm4b:s8+s3], $0x80, v4, vm0, $0xb8;
	[tilespmem:$0x10080] =	vst v63  }
0x9e: {  	v3 =	vadd.s32 v1, v3;
	s9 =	simm.s32 $0xB080  }
0x9f: {  	[tilespmem:s9], [sflag:$0x1] =	stream.indirect_vreg.gather [hbm4b:s10+s3], $0x80, v4, vm0, $0xb8;
	[tilespmem:$0x10080] =	vst v63  }
0xa0: {  	s29 =	simm.s32 $0xB880  }
0xa1: {  	[tilespmem:s29], [sflag:$0x1] =	stream.indirect_vreg.gather [hbm4b:s11+s3], $0x80, v4, vm0, $0xb8;
	[tilespmem:$0x10080] =	vst v63  }
0xa2: {  	s9 =	simm.s32 $0xC080  }
0xa3: {  	[tilespmem:s9], [sflag:$0x1] =	stream.indirect_vreg.gather [hbm4b:s2+s3], $0x80, v3, vm0, $0xb8;
	[tilespmem:$0x10080] =	vst v63  }
0xa4: {  	s29 =	simm.s32 $0xC880  }
0xa5: {  	[tilespmem:s29], [sflag:$0x1] =	stream.indirect_vreg.gather [hbm4b:s4+s3], $0x80, v3, vm0, $0xb8;
	[tilespmem:$0x10080] =	vst v63  }
0xa6: {  	s9 =	simm.s32 $0xD080  }
0xa7: {  	[tilespmem:s9], [sflag:$0x1] =	stream.indirect_vreg.gather [hbm4b:s5+s3], $0x80, v3, vm0, $0xb8;
	[tilespmem:$0x10080] =	vst v63  }
0xa8: {  	s29 =	simm.s32 $0xD880  }
0xa9: {  	[tilespmem:s29], [sflag:$0x1] =	stream.indirect_vreg.gather [hbm4b:s6+s3], $0x80, v3, vm0, $0xb8;
	[tilespmem:$0x10080] =	vst v63  }
0xaa: {  	s9 =	simm.s32 $0xE080  }
0xab: {  	[tilespmem:s9], [sflag:$0x1] =	stream.indirect_vreg.gather [hbm4b:s7+s3], $0x80, v3, vm0, $0xb8;
	[tilespmem:$0x10080] =	vst v63  }
0xac: {  	s29 =	simm.s32 $0xE880  }
0xad: {  	[tilespmem:s29], [sflag:$0x1] =	stream.indirect_vreg.gather [hbm4b:s8+s3], $0x80, v3, vm0, $0xb8;
	[tilespmem:$0x10080] =	vst v63  }
0xae: {  	s9 =	simm.s32 $0xF080  }
0xaf: {  	[tilespmem:s9], [sflag:$0x1] =	stream.indirect_vreg.gather [hbm4b:s10+s3], $0x80, v3, vm0, $0xb8;
	[tilespmem:$0x10080] =	vst v63  }
0xb0: {  	s29 =	simm.s32 $0xF880  }
0xb1: {  	[tilespmem:s29], [sflag:$0x1] =	stream.indirect_vreg.gather [hbm4b:s11+s3], $0x80, v3, vm0, $0xb8;
	[tilespmem:$0x10080] =	vst v63  }
0xb2: {  	_ =	swait.ge [sflag:s28], $0x10000  }
0xb3: {  	p0 =	sne.s32 s12, $0x1;
	[sflag:s28] =	ssyncset.done $0x0  }
.Ltmp0:
0xb4: {  	s9 =	rddreg [dreg:$0x5];
	[sflag:s28] =	ssyncadd.s32 $0xFFFF0000;
	(pc) =	sbr.rel @p0 .LBB2_1-.Ltmp0, $4  }
0xb5: {  	[hbm4b:s9+s3] =	stream.linear.scatter [tilespmem:s0], [sflag:$0x2], $0x10000, $0x38;
	[tilespmem:$0x10080] =	vst v63  }
0xb6: {  	_ =	swait.ge [sflag:s13], $0x10000  }
0xb7: {  	[sflag:s13] =	ssyncset.done $0x0  }
0xb8: {  	s12 =	sadd.s32 $0xFFFFFFFF, s12;
	[sflag:s13] =	ssyncadd.s32 $0xFFFF0000  }
0xb9: {  	_ =	sfence.sel $0x180000  }
0xba: {  	[bflag:$0x0] =	sbarrier.arrive $0xFFFF  }
0xbb: {  	_ =	strace $0x90000047  }
0xbc: {  	s0 =	stileid.u32;
	[bflag:$0x2] =	sbarrier.arrive $0xFFFF  }
0xbd: {  	p0 =	sne.s32 s0, $0x0;
	s0 =	rddreg [dreg:$0x3]  }
0xbe: {  	s0 =	sadd.s32 @!p0 $0x100000, s0  }
0xbf: {  	[sflag:s0] =	ssyncadd.tile.s32 @!p0 $0x1;
	_ =	shalt  }
.Lfunc_end2:
_tile_overlayer_lowered:
.L_overlay_start_2:
0xc0: {  	(tag) =	ssettag $0x2  }
0xc1: {  	s0 =	rddreg [dreg:$0x0];
	s2 =	stileid.u32  }
0xc2: {  	s1 =	rddreg [dreg:$0x1];
	p0 =	sne.s32 s2, $0x0  }
0xc3: {  	s3 =	rddreg [dreg:$0x2];
	[bflag:$0x3] =	sbarrier.arrive $0xFFFF;
	s2 =	simm.s32 @!p0 $0x1C02  }
0xc4: {  	[timem:s3], [sflag:s2] =	dma.local @!p0 [hbm:s0], s1  }
0xc5: {  	s0 =	simm.s32 @!p0 $0x2  }
0xc6: {  	_ =	swait.ge @!p0 [sflag:s0], s1  }
0xc7: {  	s1 =	ssub.s32 @!p0 $0x0, s1;
	[sflag:s0] =	ssyncset.done @!p0 $0x0  }
0xc8: {  	[sflag:s0] =	ssyncadd.s32 @!p0 s1  }
0xc9: {  	[bflag:$0x3] =	sbarrier.arrive $0xFFFF  }
0xca: {  	_ =	shalt  }

</sc_bundles>
